<compile_context>
chip_gen: v7x
topology: tpu7x:2x2x1
jax: 0.10.2.dev20260603
libtpu: 0.0.44.dev20260713+nightly
codegen_flags: <defaults>
</compile_context>

<pallas_src>
import functools

import jax
import jax.numpy as jnp
from jax import lax
from jax.experimental import pallas as pl
from jax.experimental.pallas import tpu as pltpu
from jax.experimental.pallas import tpu_sc as plsc

_HALO = 4
_LANES = 16


def _sc_tok_len(ids, T):
    NC, NS = 2, 16
    NW = NC * NS
    chunk = T // NW
    assert chunk * NW == T and chunk % _LANES == 0

    mesh = plsc.VectorSubcoreMesh(core_axis_name="c", subcore_axis_name="s")
    PAD = 8

    @functools.partial(
        pl.kernel,
        mesh=mesh,
        out_type=jax.ShapeDtypeStruct((T,), jnp.int32),
        scratch_types=[
            pltpu.VMEM((chunk + 2 * PAD,), jnp.int32),
            pltpu.VMEM((chunk,), jnp.int32),
            pltpu.SemaphoreType.DMA,
        ],
    )
    def sc_body(ids_hbm, out_hbm, ids_v, tl_v, sem):
        wid = lax.axis_index("s") * NC + lax.axis_index("c")
        base = pl.multiple_of(wid * chunk, 8)
        lo = pl.multiple_of(jnp.maximum(base - PAD, 0), 8)
        hi = pl.multiple_of(jnp.minimum(base + chunk, T - PAD), 8)
        cp0 = pltpu.async_copy(ids_hbm.at[pl.ds(base, chunk)],
                               ids_v.at[pl.ds(PAD, chunk)], sem)
        cp1 = pltpu.async_copy(ids_hbm.at[pl.ds(lo, PAD)],
                               ids_v.at[pl.ds(0, PAD)], sem)
        cp2 = pltpu.async_copy(ids_hbm.at[pl.ds(hi, PAD)],
                               ids_v.at[pl.ds(PAD + chunk, PAD)], sem)
        cp0.wait()
        cp1.wait()
        cp2.wait()
        lane = lax.iota(jnp.int32, _LANES)
        sent = jnp.full((_LANES,), -1, jnp.int32)

        @pl.when(wid == 0)
        def _():
            v = ids_v[pl.ds(0, _LANES)]
            ids_v[pl.ds(0, _LANES)] = jnp.where(lane < PAD, sent, v)

        @pl.when(wid == NW - 1)
        def _():
            v = ids_v[pl.ds(chunk + 2 * PAD - _LANES, _LANES)]
            ids_v[pl.ds(chunk + 2 * PAD - _LANES, _LANES)] = jnp.where(
                lane >= _LANES - PAD, sent, v)

        one = jnp.ones((_LANES,), jnp.int32)
        zero = jnp.zeros((_LANES,), jnp.int32)

        def step(i, carry):
            b = i * _LANES
            c = ids_v[pl.ds(b + PAD, _LANES)]
            cnt = one
            for k in range(2 * _HALO + 1):
                if k == _HALO:
                    continue
                n = ids_v[pl.ds(b + PAD - _HALO + k, _LANES)]
                cnt = cnt + jnp.where(n == c, one, zero)
            tl_v[pl.ds(b, _LANES)] = jnp.minimum(cnt, _HALO + 1) - 1
            return carry

        lax.fori_loop(0, chunk // _LANES, step, 0)
        pltpu.sync_copy(tl_v, out_hbm.at[pl.ds(base, chunk)])

    return sc_body(ids)


def _tc_apply(flat, grid, tok_len, cu_heads):
    T, D_A = flat.shape
    S, _, D_B = grid.shape
    BT = 8192
    n_heads = cu_heads.shape[0]
    gstack = grid.reshape(S * D_A, D_B)

    def body(cu_ref, tl_ref, flat_ref, g_ref, out_ref):
        x = flat_ref[...]
        tl = tl_ref[...].reshape(1, BT)
        row = pl.program_id(0) * BT + lax.broadcasted_iota(jnp.int32, (1, BT), 1)
        is_bos = row == cu_ref[0]
        for j in range(1, n_heads):
            is_bos = is_bos | (row == cu_ref[j])
        tl = jnp.where(is_bos, -1, tl)
        tlc = tl.reshape(BT, 1)
        xp = jnp.concatenate(
            [jnp.where(tlc == s, x, 0.0) for s in range(S)], axis=1)
        out_ref[...] = jnp.dot(xp, g_ref[...], preferred_element_type=jnp.float32)

    return pl.pallas_call(
        body,
        grid=(T // BT,),
        in_specs=[
            pl.BlockSpec(memory_space=pltpu.MemorySpace.SMEM),
            pl.BlockSpec((BT,), lambda i: (i,)),
            pl.BlockSpec((BT, D_A), lambda i: (i, 0)),
            pl.BlockSpec((S * D_A, D_B), lambda i: (0, 0)),
        ],
        out_specs=pl.BlockSpec((BT, D_B), lambda i: (i, 0)),
        out_shape=jax.ShapeDtypeStruct((T, D_B), jnp.float32),
    )(cu_heads, tok_len, flat, gstack)


@jax.jit
def kernel(flat, grid, segment_ids, cu_seqlens):
    T = flat.shape[0]
    ids = segment_ids.astype(jnp.int32)
    cu_heads = cu_seqlens[:-1].astype(jnp.int32)
    tok_len = _sc_tok_len(ids, T)
    return _tc_apply(flat, grid, tok_len, cu_heads)

# --- scband reference (transcript-rebuilt; emitter-appended) ---
"""Pipeline reference for scband-inverse-translate-52673478918480 (READ-ONLY COPY).

The authoritative reference and input builder live on the scoring server;
editing this copy changes nothing except your own understanding.
"""

import jax, jax.numpy as jnp
import numpy as np

MAX_SUBTOKENS = 5
NUM_WORDS = 8192
T = 16384
B = 16
D_A = 128
D_B = 128


def setup_inputs(seed: int = 0) -> dict:
    key = jax.random.key(seed)
    k1, k2, k3, k4 = jax.random.split(key, 4)
    flat = jax.random.normal(k1, (T, D_A), dtype=jnp.float32)
    segment_ids = jnp.sort(jax.random.randint(k2, (T,), 0, NUM_WORDS)).astype(jnp.int64)
    boundaries = jnp.sort(jax.random.randint(k3, (B - 1,), 0, T)).astype(jnp.int32)
    cu_seqlens = jnp.concatenate([jnp.zeros((1,), jnp.int32), boundaries, jnp.full((1,), T, jnp.int32)])
    # learned per-word-length chain-gradient grid (pinv'd translation tensors), grid[s] maps d_A -> d_B
    grid = jax.random.normal(k4, (MAX_SUBTOKENS, D_A, D_B), dtype=jnp.float32) / np.sqrt(D_A)
    return {"flat": flat, "grid": grid, "segment_ids": segment_ids, "cu_seqlens": cu_seqlens}


def reference(flat, grid, segment_ids, cu_seqlens):
    # word_shape: number of subtokens per whitespace-word (ragged segments)
    ones = jnp.ones((flat.shape[0],), dtype=jnp.int32)
    word_len = jax.ops.segment_sum(ones, segment_ids, num_segments=NUM_WORDS)
    len_idx = jnp.clip(word_len - 1, 0, MAX_SUBTOKENS - 1)  # index into grid per word
    tok_len = jnp.take(len_idx, segment_ids)  # gather word-length index per token [T]
    # apply every chain-gradient map, then per-token select the one matching its word length
    per_len = jnp.einsum('td,sde->tse', flat, grid)  # [T, S, D_B]
    out = jnp.take_along_axis(per_len, tok_len[:, None, None].astype(jnp.int32), axis=1)[:, 0, :]
    # remove_special_tokens analogue: zero the leading (BOS-like) token of each sequence
    keep = jnp.ones((flat.shape[0],), dtype=jnp.float32).at[cu_seqlens[:-1]].set(0.0)
    out = out * keep[:, None]
    return out

if __name__ == "__main__":
    import jax
    _d = setup_inputs()
    print(jax.jit(kernel)(*tuple(_d.values())))

</pallas_src>

<mosaic_0001>
#map = affine_map<(d0, d1) -> (0)>
module attributes {stable_mosaic.version = 14 : i64} {
  func.func @sc_body(%arg0: i32, %arg1: i32, %arg2: memref<16384xi32, #tpu.memory_space<hbm>>, %arg3: memref<16384xi32, #tpu.memory_space<hbm>>, %arg4: memref<528xi32, #tpu.memory_space<vmem>>, %arg5: memref<512xi32, #tpu.memory_space<vmem>>, %arg6: memref<!tpu.dma_semaphore, #tpu.memory_space<semaphore_mem>>) attributes {dimension_semantics = [#tpu.dimension_semantics<core_parallel>, #tpu.dimension_semantics<subcore_parallel>], iteration_bounds = array<i64: 2, 16>, scalar_prefetch = 0 : i64, scratch_operands = 3 : i64, tpu.core_type = #tpu.core_type<sc_vector_subcore>, window_params = [{transform_indices = #map}, {transform_indices = #map}]} {
    %mul3A = arith.constant 2 : i32
    %mul3A_0 = arith.muli %arg1, %mul3A : i32
    %add3A = arith.addi %mul3A_0, %arg0 : i32
    %mul3A_1 = arith.constant 512 : i32
    %mul3A_2 = arith.muli %add3A, %mul3A_1 : i32
    %multiple_of3A = tpu.assume_multiple %mul3A_2, 8 : i32
    %sub3A = arith.constant 8 : i32
    %sub3A_3 = arith.subi %multiple_of3A, %sub3A : i32
    %max3A = arith.constant 0 : i32
    %max3A_4 = arith.maxsi %sub3A_3, %max3A : i32
    %multiple_of3A_5 = tpu.assume_multiple %max3A_4, 8 : i32
    %add3A_6 = arith.constant 512 : i32
    %add3A_7 = arith.addi %multiple_of3A, %add3A_6 : i32
    %min3A = arith.constant 16376 : i32
    %min3A_8 = arith.minsi %add3A_7, %min3A : i32
    %multiple_of3A_9 = tpu.assume_multiple %min3A_8, 8 : i32
    %dma_start3A = arith.constant 8 : i32
    %dma_start3A_10 = tpu.memref_slice %arg4[%dma_start3A] : memref<528xi32, #tpu.memory_space<vmem>> -> memref<512xi32, #tpu.memory_space<vmem>>
    %dma_start3A_11 = tpu.memref_slice %arg2[%multiple_of3A] : memref<16384xi32, #tpu.memory_space<hbm>> -> memref<512xi32, #tpu.memory_space<hbm>>
    %dma_start3A_12 = arith.constant 8 : i32
    %dma_start3A_13 = tpu.memref_slice %arg4[%dma_start3A_12] : memref<528xi32, #tpu.memory_space<vmem>> -> memref<512xi32, #tpu.memory_space<vmem>>
    %dma_start3A_14 = tpu.memref_slice %arg2[%multiple_of3A] : memref<16384xi32, #tpu.memory_space<hbm>> -> memref<512xi32, #tpu.memory_space<hbm>>
    tpu.enqueue_dma source(%dma_start3A_14 : memref<512xi32, #tpu.memory_space<hbm>>) target(%dma_start3A_13 : memref<512xi32, #tpu.memory_space<vmem>>) target_semaphore(%arg6 : memref<!tpu.dma_semaphore, #tpu.memory_space<semaphore_mem>>)
    %dma_start3A_15 = arith.constant 0 : i32
    %dma_start3A_16 = tpu.memref_slice %arg4[%dma_start3A_15] : memref<528xi32, #tpu.memory_space<vmem>> -> memref<8xi32, #tpu.memory_space<vmem>>
    %dma_start3A_17 = tpu.memref_slice %arg2[%multiple_of3A_5] : memref<16384xi32, #tpu.memory_space<hbm>> -> memref<8xi32, #tpu.memory_space<hbm>>
    %dma_start3A_18 = arith.constant 0 : i32
    %dma_start3A_19 = tpu.memref_slice %arg4[%dma_start3A_18] : memref<528xi32, #tpu.memory_space<vmem>> -> memref<8xi32, #tpu.memory_space<vmem>>
    %dma_start3A_20 = tpu.memref_slice %arg2[%multiple_of3A_5] : memref<16384xi32, #tpu.memory_space<hbm>> -> memref<8xi32, #tpu.memory_space<hbm>>
    tpu.enqueue_dma source(%dma_start3A_20 : memref<8xi32, #tpu.memory_space<hbm>>) target(%dma_start3A_19 : memref<8xi32, #tpu.memory_space<vmem>>) target_semaphore(%arg6 : memref<!tpu.dma_semaphore, #tpu.memory_space<semaphore_mem>>)
    %dma_start3A_21 = arith.constant 520 : i32
    %dma_start3A_22 = tpu.memref_slice %arg4[%dma_start3A_21] : memref<528xi32, #tpu.memory_space<vmem>> -> memref<8xi32, #tpu.memory_space<vmem>>
    %dma_start3A_23 = tpu.memref_slice %arg2[%multiple_of3A_9] : memref<16384xi32, #tpu.memory_space<hbm>> -> memref<8xi32, #tpu.memory_space<hbm>>
    %dma_start3A_24 = arith.constant 520 : i32
    %dma_start3A_25 = tpu.memref_slice %arg4[%dma_start3A_24] : memref<528xi32, #tpu.memory_space<vmem>> -> memref<8xi32, #tpu.memory_space<vmem>>
    %dma_start3A_26 = tpu.memref_slice %arg2[%multiple_of3A_9] : memref<16384xi32, #tpu.memory_space<hbm>> -> memref<8xi32, #tpu.memory_space<hbm>>
    tpu.enqueue_dma source(%dma_start3A_26 : memref<8xi32, #tpu.memory_space<hbm>>) target(%dma_start3A_25 : memref<8xi32, #tpu.memory_space<vmem>>) target_semaphore(%arg6 : memref<!tpu.dma_semaphore, #tpu.memory_space<semaphore_mem>>)
    %dma_wait3A = arith.constant 8 : i32
    %dma_wait3A_27 = tpu.memref_slice %arg4[%dma_wait3A] : memref<528xi32, #tpu.memory_space<vmem>> -> memref<512xi32, #tpu.memory_space<vmem>>
    %dma_wait3A_28 = tpu.memref_slice %arg2[%multiple_of3A] : memref<16384xi32, #tpu.memory_space<hbm>> -> memref<512xi32, #tpu.memory_space<hbm>>
    %dma_wait3A_29 = arith.constant 8 : i32
    %dma_wait3A_30 = tpu.memref_slice %arg4[%dma_wait3A_29] : memref<528xi32, #tpu.memory_space<vmem>> -> memref<512xi32, #tpu.memory_space<vmem>>
    %dma_wait3A_31 = tpu.memref_slice %arg2[%multiple_of3A] : memref<16384xi32, #tpu.memory_space<hbm>> -> memref<512xi32, #tpu.memory_space<hbm>>
    tpu.wait_dma2 semaphore(%arg6 : memref<!tpu.dma_semaphore, #tpu.memory_space<semaphore_mem>>) src(%dma_wait3A_31 : memref<512xi32, #tpu.memory_space<hbm>>) dst(%dma_wait3A_30 : memref<512xi32, #tpu.memory_space<vmem>>)
    %dma_wait3A_32 = arith.constant 0 : i32
    %dma_wait3A_33 = tpu.memref_slice %arg4[%dma_wait3A_32] : memref<528xi32, #tpu.memory_space<vmem>> -> memref<8xi32, #tpu.memory_space<vmem>>
    %dma_wait3A_34 = tpu.memref_slice %arg2[%multiple_of3A_5] : memref<16384xi32, #tpu.memory_space<hbm>> -> memref<8xi32, #tpu.memory_space<hbm>>
    %dma_wait3A_35 = arith.constant 0 : i32
    %dma_wait3A_36 = tpu.memref_slice %arg4[%dma_wait3A_35] : memref<528xi32, #tpu.memory_space<vmem>> -> memref<8xi32, #tpu.memory_space<vmem>>
    %dma_wait3A_37 = tpu.memref_slice %arg2[%multiple_of3A_5] : memref<16384xi32, #tpu.memory_space<hbm>> -> memref<8xi32, #tpu.memory_space<hbm>>
    tpu.wait_dma2 semaphore(%arg6 : memref<!tpu.dma_semaphore, #tpu.memory_space<semaphore_mem>>) src(%dma_wait3A_37 : memref<8xi32, #tpu.memory_space<hbm>>) dst(%dma_wait3A_36 : memref<8xi32, #tpu.memory_space<vmem>>)
    %dma_wait3A_38 = arith.constant 520 : i32
    %dma_wait3A_39 = tpu.memref_slice %arg4[%dma_wait3A_38] : memref<528xi32, #tpu.memory_space<vmem>> -> memref<8xi32, #tpu.memory_space<vmem>>
    %dma_wait3A_40 = tpu.memref_slice %arg2[%multiple_of3A_9] : memref<16384xi32, #tpu.memory_space<hbm>> -> memref<8xi32, #tpu.memory_space<hbm>>
    %dma_wait3A_41 = arith.constant 520 : i32
    %dma_wait3A_42 = tpu.memref_slice %arg4[%dma_wait3A_41] : memref<528xi32, #tpu.memory_space<vmem>> -> memref<8xi32, #tpu.memory_space<vmem>>
    %dma_wait3A_43 = tpu.memref_slice %arg2[%multiple_of3A_9] : memref<16384xi32, #tpu.memory_space<hbm>> -> memref<8xi32, #tpu.memory_space<hbm>>
    tpu.wait_dma2 semaphore(%arg6 : memref<!tpu.dma_semaphore, #tpu.memory_space<semaphore_mem>>) src(%dma_wait3A_43 : memref<8xi32, #tpu.memory_space<hbm>>) dst(%dma_wait3A_42 : memref<8xi32, #tpu.memory_space<vmem>>)
    %iota3A = tpu.iota {dimensions = array<i32: 0>} : vector<16xi32>
    %broadcast_in_dim3A = arith.constant -1 : i32
    %broadcast_in_dim3A_44 = vector.broadcast %broadcast_in_dim3A : i32 to vector<16xi32>
    %eq3A = arith.constant 0 : i32
    %eq3A_45 = arith.cmpi eq, %add3A, %eq3A : i32
    %convert_element_type3A = arith.extui %eq3A_45 : i1 to i32
    %cond3A = arith.constant 0 : i32
    %cond3A_46 = arith.cmpi ne, %convert_element_type3A, %cond3A : i32
    scf.if %cond3A_46 {
      %get3A = arith.constant 0 : index
      %get3A_61 = tpu.vector_load %arg4[%get3A] {strides = array<i32>} : memref<528xi32, #tpu.memory_space<vmem>>, vector<16xi32>,
      %get3A_62 = vector.shape_cast %get3A_61 : vector<16xi32> to vector<16xi32>
      %lt3A = arith.constant 8 : i32
      %lt3A_63 = vector.broadcast %lt3A : i32 to vector<16xi32>
      %lt3A_64 = arith.cmpi slt, %iota3A, %lt3A_63 : vector<16xi32>
      %select_n3A = arith.select %lt3A_64, %broadcast_in_dim3A_44, %get3A_62 : vector<16xi1>, vector<16xi32>
      %swap3A = arith.constant 0 : index
      %swap3A_65 = tpu.vector_load %arg4[%swap3A] {strides = array<i32>} : memref<528xi32, #tpu.memory_space<vmem>>, vector<16xi32>,
      %swap3A_66 = vector.shape_cast %swap3A_65 : vector<16xi32> to vector<16xi32>
      %swap3A_67 = vector.shape_cast %select_n3A : vector<16xi32> to vector<16xi32>
      tpu.vector_store %arg4[%swap3A], %swap3A_67 {strides = array<i32>} : memref<528xi32, #tpu.memory_space<vmem>>, vector<16xi32>,
    } else {
    }
    %eq3A_47 = arith.constant 31 : i32
    %eq3A_48 = arith.cmpi eq, %add3A, %eq3A_47 : i32
    %convert_element_type3A_49 = arith.extui %eq3A_48 : i1 to i32
    %cond3A_50 = arith.constant 0 : i32
    %cond3A_51 = arith.cmpi ne, %convert_element_type3A_49, %cond3A_50 : i32
    scf.if %cond3A_51 {
      %get3A = arith.constant 512 : index
      %get3A_61 = tpu.vector_load %arg4[%get3A] {strides = array<i32>} : memref<528xi32, #tpu.memory_space<vmem>>, vector<16xi32>,
      %get3A_62 = vector.shape_cast %get3A_61 : vector<16xi32> to vector<16xi32>
      %ge3A = arith.constant 8 : i32
      %ge3A_63 = vector.broadcast %ge3A : i32 to vector<16xi32>
      %ge3A_64 = arith.cmpi sge, %iota3A, %ge3A_63 : vector<16xi32>
      %select_n3A = arith.select %ge3A_64, %broadcast_in_dim3A_44, %get3A_62 : vector<16xi1>, vector<16xi32>
      %swap3A = arith.constant 512 : index
      %swap3A_65 = tpu.vector_load %arg4[%swap3A] {strides = array<i32>} : memref<528xi32, #tpu.memory_space<vmem>>, vector<16xi32>,
      %swap3A_66 = vector.shape_cast %swap3A_65 : vector<16xi32> to vector<16xi32>
      %swap3A_67 = vector.shape_cast %select_n3A : vector<16xi32> to vector<16xi32>
      tpu.vector_store %arg4[%swap3A], %swap3A_67 {strides = array<i32>} : memref<528xi32, #tpu.memory_space<vmem>>, vector<16xi32>,
    } else {
    }
    %broadcast_in_dim3A_52 = arith.constant 1 : i32
    %broadcast_in_dim3A_53 = vector.broadcast %broadcast_in_dim3A_52 : i32 to vector<16xi32>
    %broadcast_in_dim3A_54 = arith.constant 0 : i32
    %broadcast_in_dim3A_55 = vector.broadcast %broadcast_in_dim3A_54 : i32 to vector<16xi32>
    %scan3A = arith.constant 0 : i32
    %scan3A_56 = arith.constant 0 : i32
    %scan3A_57 = arith.constant 32 : i32
    %scan3A_58 = arith.addi %scan3A_56, %scan3A_57 : i32
    %scan3A_59 = arith.constant 1 : i32
    scf.for %scan3A_61 = %scan3A_56 to %scan3A_58 step %scan3A_59  : i32 {
      %mul3A_62 = arith.constant 16 : i32
      %mul3A_63 = arith.muli %scan3A_61, %mul3A_62 : i32
      %add3A_64 = arith.constant 8 : i32
      %add3A_65 = arith.addi %mul3A_63, %add3A_64 : i32
      %get3A = arith.index_cast %add3A_65 : i32 to index
      %get3A_66 = tpu.vector_load %arg4[%get3A] {strides = array<i32>} : memref<528xi32, #tpu.memory_space<vmem>>, vector<16xi32>,
      %get3A_67 = vector.shape_cast %get3A_66 : vector<16xi32> to vector<16xi32>
      %add3A_68 = arith.constant 8 : i32
      %add3A_69 = arith.addi %mul3A_63, %add3A_68 : i32
      %sub3A_70 = arith.constant 4 : i32
      %sub3A_71 = arith.subi %add3A_69, %sub3A_70 : i32
      %add3A_72 = arith.constant 0 : i32
      %add3A_73 = arith.addi %sub3A_71, %add3A_72 : i32
      %get3A_74 = arith.index_cast %add3A_73 : i32 to index
      %get3A_75 = tpu.vector_load %arg4[%get3A_74] {strides = array<i32>} : memref<528xi32, #tpu.memory_space<vmem>>, vector<16xi32>,
      %get3A_76 = vector.shape_cast %get3A_75 : vector<16xi32> to vector<16xi32>
      %eq3A_77 = arith.cmpi eq, %get3A_76, %get3A_67 : vector<16xi32>
      %select_n3A = arith.select %eq3A_77, %broadcast_in_dim3A_53, %broadcast_in_dim3A_55 : vector<16xi1>, vector<16xi32>
      %add3A_78 = arith.addi %broadcast_in_dim3A_53, %select_n3A : vector<16xi32>
      %add3A_79 = arith.constant 8 : i32
      %add3A_80 = arith.addi %mul3A_63, %add3A_79 : i32
      %sub3A_81 = arith.constant 4 : i32
      %sub3A_82 = arith.subi %add3A_80, %sub3A_81 : i32
      %add3A_83 = arith.constant 1 : i32
      %add3A_84 = arith.addi %sub3A_82, %add3A_83 : i32
      %get3A_85 = arith.index_cast %add3A_84 : i32 to index
      %get3A_86 = tpu.vector_load %arg4[%get3A_85] {strides = array<i32>} : memref<528xi32, #tpu.memory_space<vmem>>, vector<16xi32>,
      %get3A_87 = vector.shape_cast %get3A_86 : vector<16xi32> to vector<16xi32>
      %eq3A_88 = arith.cmpi eq, %get3A_87, %get3A_67 : vector<16xi32>
      %select_n3A_89 = arith.select %eq3A_88, %broadcast_in_dim3A_53, %broadcast_in_dim3A_55 : vector<16xi1>, vector<16xi32>
      %add3A_90 = arith.addi %add3A_78, %select_n3A_89 : vector<16xi32>
      %add3A_91 = arith.constant 8 : i32
      %add3A_92 = arith.addi %mul3A_63, %add3A_91 : i32
      %sub3A_93 = arith.constant 4 : i32
      %sub3A_94 = arith.subi %add3A_92, %sub3A_93 : i32
      %add3A_95 = arith.constant 2 : i32
      %add3A_96 = arith.addi %sub3A_94, %add3A_95 : i32
      %get3A_97 = arith.index_cast %add3A_96 : i32 to index
      %get3A_98 = tpu.vector_load %arg4[%get3A_97] {strides = array<i32>} : memref<528xi32, #tpu.memory_space<vmem>>, vector<16xi32>,
      %get3A_99 = vector.shape_cast %get3A_98 : vector<16xi32> to vector<16xi32>
      %eq3A_100 = arith.cmpi eq, %get3A_99, %get3A_67 : vector<16xi32>
      %select_n3A_101 = arith.select %eq3A_100, %broadcast_in_dim3A_53, %broadcast_in_dim3A_55 : vector<16xi1>, vector<16xi32>
      %add3A_102 = arith.addi %add3A_90, %select_n3A_101 : vector<16xi32>
      %add3A_103 = arith.constant 8 : i32
      %add3A_104 = arith.addi %mul3A_63, %add3A_103 : i32
      %sub3A_105 = arith.constant 4 : i32
      %sub3A_106 = arith.subi %add3A_104, %sub3A_105 : i32
      %add3A_107 = arith.constant 3 : i32
      %add3A_108 = arith.addi %sub3A_106, %add3A_107 : i32
      %get3A_109 = arith.index_cast %add3A_108 : i32 to index
      %get3A_110 = tpu.vector_load %arg4[%get3A_109] {strides = array<i32>} : memref<528xi32, #tpu.memory_space<vmem>>, vector<16xi32>,
      %get3A_111 = vector.shape_cast %get3A_110 : vector<16xi32> to vector<16xi32>
      %eq3A_112 = arith.cmpi eq, %get3A_111, %get3A_67 : vector<16xi32>
      %select_n3A_113 = arith.select %eq3A_112, %broadcast_in_dim3A_53, %broadcast_in_dim3A_55 : vector<16xi1>, vector<16xi32>
      %add3A_114 = arith.addi %add3A_102, %select_n3A_113 : vector<16xi32>
      %add3A_115 = arith.constant 8 : i32
      %add3A_116 = arith.addi %mul3A_63, %add3A_115 : i32
      %sub3A_117 = arith.constant 4 : i32
      %sub3A_118 = arith.subi %add3A_116, %sub3A_117 : i32
      %add3A_119 = arith.constant 5 : i32
      %add3A_120 = arith.addi %sub3A_118, %add3A_119 : i32
      %get3A_121 = arith.index_cast %add3A_120 : i32 to index
      %get3A_122 = tpu.vector_load %arg4[%get3A_121] {strides = array<i32>} : memref<528xi32, #tpu.memory_space<vmem>>, vector<16xi32>,
      %get3A_123 = vector.shape_cast %get3A_122 : vector<16xi32> to vector<16xi32>
      %eq3A_124 = arith.cmpi eq, %get3A_123, %get3A_67 : vector<16xi32>
      %select_n3A_125 = arith.select %eq3A_124, %broadcast_in_dim3A_53, %broadcast_in_dim3A_55 : vector<16xi1>, vector<16xi32>
      %add3A_126 = arith.addi %add3A_114, %select_n3A_125 : vector<16xi32>
      %add3A_127 = arith.constant 8 : i32
      %add3A_128 = arith.addi %mul3A_63, %add3A_127 : i32
      %sub3A_129 = arith.constant 4 : i32
      %sub3A_130 = arith.subi %add3A_128, %sub3A_129 : i32
      %add3A_131 = arith.constant 6 : i32
      %add3A_132 = arith.addi %sub3A_130, %add3A_131 : i32
      %get3A_133 = arith.index_cast %add3A_132 : i32 to index
      %get3A_134 = tpu.vector_load %arg4[%get3A_133] {strides = array<i32>} : memref<528xi32, #tpu.memory_space<vmem>>, vector<16xi32>,
      %get3A_135 = vector.shape_cast %get3A_134 : vector<16xi32> to vector<16xi32>
      %eq3A_136 = arith.cmpi eq, %get3A_135, %get3A_67 : vector<16xi32>
      %select_n3A_137 = arith.select %eq3A_136, %broadcast_in_dim3A_53, %broadcast_in_dim3A_55 : vector<16xi1>, vector<16xi32>
      %add3A_138 = arith.addi %add3A_126, %select_n3A_137 : vector<16xi32>
      %add3A_139 = arith.constant 8 : i32
      %add3A_140 = arith.addi %mul3A_63, %add3A_139 : i32
      %sub3A_141 = arith.constant 4 : i32
      %sub3A_142 = arith.subi %add3A_140, %sub3A_141 : i32
      %add3A_143 = arith.constant 7 : i32
      %add3A_144 = arith.addi %sub3A_142, %add3A_143 : i32
      %get3A_145 = arith.index_cast %add3A_144 : i32 to index
      %get3A_146 = tpu.vector_load %arg4[%get3A_145] {strides = array<i32>} : memref<528xi32, #tpu.memory_space<vmem>>, vector<16xi32>,
      %get3A_147 = vector.shape_cast %get3A_146 : vector<16xi32> to vector<16xi32>
      %eq3A_148 = arith.cmpi eq, %get3A_147, %get3A_67 : vector<16xi32>
      %select_n3A_149 = arith.select %eq3A_148, %broadcast_in_dim3A_53, %broadcast_in_dim3A_55 : vector<16xi1>, vector<16xi32>
      %add3A_150 = arith.addi %add3A_138, %select_n3A_149 : vector<16xi32>
      %add3A_151 = arith.constant 8 : i32
      %add3A_152 = arith.addi %mul3A_63, %add3A_151 : i32
      %sub3A_153 = arith.constant 4 : i32
      %sub3A_154 = arith.subi %add3A_152, %sub3A_153 : i32
      %add3A_155 = arith.constant 8 : i32
      %add3A_156 = arith.addi %sub3A_154, %add3A_155 : i32
      %get3A_157 = arith.index_cast %add3A_156 : i32 to index
      %get3A_158 = tpu.vector_load %arg4[%get3A_157] {strides = array<i32>} : memref<528xi32, #tpu.memory_space<vmem>>, vector<16xi32>,
      %get3A_159 = vector.shape_cast %get3A_158 : vector<16xi32> to vector<16xi32>
      %eq3A_160 = arith.cmpi eq, %get3A_159, %get3A_67 : vector<16xi32>
      %select_n3A_161 = arith.select %eq3A_160, %broadcast_in_dim3A_53, %broadcast_in_dim3A_55 : vector<16xi1>, vector<16xi32>
      %add3A_162 = arith.addi %add3A_150, %select_n3A_161 : vector<16xi32>
      %min3A_163 = arith.constant 5 : i32
      %min3A_164 = vector.broadcast %min3A_163 : i32 to vector<16xi32>
      %min3A_165 = arith.minsi %add3A_162, %min3A_164 : vector<16xi32>
      %sub3A_166 = arith.constant 1 : i32
      %sub3A_167 = vector.broadcast %sub3A_166 : i32 to vector<16xi32>
      %sub3A_168 = arith.subi %min3A_165, %sub3A_167 : vector<16xi32>
      %swap3A = arith.index_cast %mul3A_63 : i32 to index
      %swap3A_169 = tpu.vector_load %arg5[%swap3A] {strides = array<i32>} : memref<512xi32, #tpu.memory_space<vmem>>, vector<16xi32>,
      %swap3A_170 = vector.shape_cast %swap3A_169 : vector<16xi32> to vector<16xi32>
      %swap3A_171 = vector.shape_cast %sub3A_168 : vector<16xi32> to vector<16xi32>
      tpu.vector_store %arg5[%swap3A], %swap3A_171 {strides = array<i32>} : memref<512xi32, #tpu.memory_space<vmem>>, vector<16xi32>,
    }
    %scan3A_60 = arith.constant 32 : i32
    "tpu.region"() ({
      %run_scoped3A = tpu.sem_alloc : memref<!tpu.dma_semaphore, #tpu.memory_space<semaphore_mem>>
      %dma_start3A_61 = tpu.memref_slice %arg3[%multiple_of3A] : memref<16384xi32, #tpu.memory_space<hbm>> -> memref<512xi32, #tpu.memory_space<hbm>>
      %dma_start3A_62 = tpu.memref_slice %arg3[%multiple_of3A] : memref<16384xi32, #tpu.memory_space<hbm>> -> memref<512xi32, #tpu.memory_space<hbm>>
      tpu.enqueue_dma source(%arg5 : memref<512xi32, #tpu.memory_space<vmem>>) target(%dma_start3A_62 : memref<512xi32, #tpu.memory_space<hbm>>) target_semaphore(%run_scoped3A : memref<!tpu.dma_semaphore, #tpu.memory_space<semaphore_mem>>)
      %dma_wait3A_63 = tpu.memref_slice %arg3[%multiple_of3A] : memref<16384xi32, #tpu.memory_space<hbm>> -> memref<512xi32, #tpu.memory_space<hbm>>
      %dma_wait3A_64 = tpu.memref_slice %arg3[%multiple_of3A] : memref<16384xi32, #tpu.memory_space<hbm>> -> memref<512xi32, #tpu.memory_space<hbm>>
      tpu.wait_dma2 semaphore(%run_scoped3A : memref<!tpu.dma_semaphore, #tpu.memory_space<semaphore_mem>>) src(%arg5 : memref<512xi32, #tpu.memory_space<vmem>>) dst(%dma_wait3A_64 : memref<512xi32, #tpu.memory_space<hbm>>)
      tpu.yield
    }) : () -> ()
    return
  }
}

module attributes {stable_mosaic.version = 14 : i64} {
  func.func @body(%arg0: i32, %arg1: memref<16xi32, #tpu.memory_space<smem>>, %arg2: memref<8192xi32, #tpu.memory_space<vmem>>, %arg3: memref<8192x128xf32, #tpu.memory_space<vmem>>, %arg4: memref<640x128xf32, #tpu.memory_space<vmem>>, %arg5: memref<8192x128xf32, #tpu.memory_space<vmem>>) attributes {dimension_semantics = [#tpu.dimension_semantics<arbitrary>], iteration_bounds = array<i64: 2>, scalar_prefetch = 0 : i64, scratch_operands = 0 : i64, tpu.core_type = #tpu.core_type<tc>, window_params = [{transform_indices = @transform_0, window_bounds = array<i64: 16>}, {transform_indices = @transform_1, window_bounds = array<i64: 8192>}, {transform_indices = @transform_2, window_bounds = array<i64: 8192, 128>}, {pipeline_mode = #tpu.pipeline_mode<synchronous>, transform_indices = @transform_3, window_bounds = array<i64: 640, 128>}, {transform_indices = @transform_4, window_bounds = array<i64: 8192, 128>}]} {
    %get3A = arith.constant 0 : index
    %get3A_0 = arith.constant 0 : index
    %get3A_1 = vector.load %arg3[%get3A, %get3A_0] : memref<8192x128xf32, #tpu.memory_space<vmem>>, vector<8192x128xf32>
    %get3A_2 = arith.constant 0 : index
    %get3A_3 = vector.load %arg2[%get3A_2] : memref<8192xi32, #tpu.memory_space<vmem>>, vector<8192xi32>
    %reshape3A = vector.shape_cast %get3A_3 : vector<8192xi32> to vector<1x8192xi32>
    %mul3A = arith.constant 8192 : i32
    %mul3A_4 = arith.muli %arg0, %mul3A : i32
    %iota3A = tpu.iota {dimensions = array<i32: 1>} : vector<1x8192xi32>
    %add3A = vector.broadcast %mul3A_4 : i32 to vector<1x8192xi32>
    %add3A_5 = arith.addi %add3A, %iota3A : vector<1x8192xi32>
    %get3A_6 = arith.constant 0 : index
    %get3A_7 = memref.load %arg1[%get3A_6] : memref<16xi32, #tpu.memory_space<smem>>
    %eq3A = vector.broadcast %get3A_7 : i32 to vector<1x8192xi32>
    %eq3A_8 = arith.cmpi eq, %add3A_5, %eq3A : vector<1x8192xi32>
    %get3A_9 = arith.constant 1 : index
    %get3A_10 = memref.load %arg1[%get3A_9] : memref<16xi32, #tpu.memory_space<smem>>
    %eq3A_11 = vector.broadcast %get3A_10 : i32 to vector<1x8192xi32>
    %eq3A_12 = arith.cmpi eq, %add3A_5, %eq3A_11 : vector<1x8192xi32>
    %or3A = arith.ori %eq3A_8, %eq3A_12 : vector<1x8192xi1>
    %get3A_13 = arith.constant 2 : index
    %get3A_14 = memref.load %arg1[%get3A_13] : memref<16xi32, #tpu.memory_space<smem>>
    %eq3A_15 = vector.broadcast %get3A_14 : i32 to vector<1x8192xi32>
    %eq3A_16 = arith.cmpi eq, %add3A_5, %eq3A_15 : vector<1x8192xi32>
    %or3A_17 = arith.ori %or3A, %eq3A_16 : vector<1x8192xi1>
    %get3A_18 = arith.constant 3 : index
    %get3A_19 = memref.load %arg1[%get3A_18] : memref<16xi32, #tpu.memory_space<smem>>
    %eq3A_20 = vector.broadcast %get3A_19 : i32 to vector<1x8192xi32>
    %eq3A_21 = arith.cmpi eq, %add3A_5, %eq3A_20 : vector<1x8192xi32>
    %or3A_22 = arith.ori %or3A_17, %eq3A_21 : vector<1x8192xi1>
    %get3A_23 = arith.constant 4 : index
    %get3A_24 = memref.load %arg1[%get3A_23] : memref<16xi32, #tpu.memory_space<smem>>
    %eq3A_25 = vector.broadcast %get3A_24 : i32 to vector<1x8192xi32>
    %eq3A_26 = arith.cmpi eq, %add3A_5, %eq3A_25 : vector<1x8192xi32>
    %or3A_27 = arith.ori %or3A_22, %eq3A_26 : vector<1x8192xi1>
    %get3A_28 = arith.constant 5 : index
    %get3A_29 = memref.load %arg1[%get3A_28] : memref<16xi32, #tpu.memory_space<smem>>
    %eq3A_30 = vector.broadcast %get3A_29 : i32 to vector<1x8192xi32>
    %eq3A_31 = arith.cmpi eq, %add3A_5, %eq3A_30 : vector<1x8192xi32>
    %or3A_32 = arith.ori %or3A_27, %eq3A_31 : vector<1x8192xi1>
    %get3A_33 = arith.constant 6 : index
    %get3A_34 = memref.load %arg1[%get3A_33] : memref<16xi32, #tpu.memory_space<smem>>
    %eq3A_35 = vector.broadcast %get3A_34 : i32 to vector<1x8192xi32>
    %eq3A_36 = arith.cmpi eq, %add3A_5, %eq3A_35 : vector<1x8192xi32>
    %or3A_37 = arith.ori %or3A_32, %eq3A_36 : vector<1x8192xi1>
    %get3A_38 = arith.constant 7 : index
    %get3A_39 = memref.load %arg1[%get3A_38] : memref<16xi32, #tpu.memory_space<smem>>
    %eq3A_40 = vector.broadcast %get3A_39 : i32 to vector<1x8192xi32>
    %eq3A_41 = arith.cmpi eq, %add3A_5, %eq3A_40 : vector<1x8192xi32>
    %or3A_42 = arith.ori %or3A_37, %eq3A_41 : vector<1x8192xi1>
    %get3A_43 = arith.constant 8 : index
    %get3A_44 = memref.load %arg1[%get3A_43] : memref<16xi32, #tpu.memory_space<smem>>
    %eq3A_45 = vector.broadcast %get3A_44 : i32 to vector<1x8192xi32>
    %eq3A_46 = arith.cmpi eq, %add3A_5, %eq3A_45 : vector<1x8192xi32>
    %or3A_47 = arith.ori %or3A_42, %eq3A_46 : vector<1x8192xi1>
    %get3A_48 = arith.constant 9 : index
    %get3A_49 = memref.load %arg1[%get3A_48] : memref<16xi32, #tpu.memory_space<smem>>
    %eq3A_50 = vector.broadcast %get3A_49 : i32 to vector<1x8192xi32>
    %eq3A_51 = arith.cmpi eq, %add3A_5, %eq3A_50 : vector<1x8192xi32>
    %or3A_52 = arith.ori %or3A_47, %eq3A_51 : vector<1x8192xi1>
    %get3A_53 = arith.constant 10 : index
    %get3A_54 = memref.load %arg1[%get3A_53] : memref<16xi32, #tpu.memory_space<smem>>
    %eq3A_55 = vector.broadcast %get3A_54 : i32 to vector<1x8192xi32>
    %eq3A_56 = arith.cmpi eq, %add3A_5, %eq3A_55 : vector<1x8192xi32>
    %or3A_57 = arith.ori %or3A_52, %eq3A_56 : vector<1x8192xi1>
    %get3A_58 = arith.constant 11 : index
    %get3A_59 = memref.load %arg1[%get3A_58] : memref<16xi32, #tpu.memory_space<smem>>
    %eq3A_60 = vector.broadcast %get3A_59 : i32 to vector<1x8192xi32>
    %eq3A_61 = arith.cmpi eq, %add3A_5, %eq3A_60 : vector<1x8192xi32>
    %or3A_62 = arith.ori %or3A_57, %eq3A_61 : vector<1x8192xi1>
    %get3A_63 = arith.constant 12 : index
    %get3A_64 = memref.load %arg1[%get3A_63] : memref<16xi32, #tpu.memory_space<smem>>
    %eq3A_65 = vector.broadcast %get3A_64 : i32 to vector<1x8192xi32>
    %eq3A_66 = arith.cmpi eq, %add3A_5, %eq3A_65 : vector<1x8192xi32>
    %or3A_67 = arith.ori %or3A_62, %eq3A_66 : vector<1x8192xi1>
    %get3A_68 = arith.constant 13 : index
    %get3A_69 = memref.load %arg1[%get3A_68] : memref<16xi32, #tpu.memory_space<smem>>
    %eq3A_70 = vector.broadcast %get3A_69 : i32 to vector<1x8192xi32>
    %eq3A_71 = arith.cmpi eq, %add3A_5, %eq3A_70 : vector<1x8192xi32>
    %or3A_72 = arith.ori %or3A_67, %eq3A_71 : vector<1x8192xi1>
    %get3A_73 = arith.constant 14 : index
    %get3A_74 = memref.load %arg1[%get3A_73] : memref<16xi32, #tpu.memory_space<smem>>
    %eq3A_75 = vector.broadcast %get3A_74 : i32 to vector<1x8192xi32>
    %eq3A_76 = arith.cmpi eq, %add3A_5, %eq3A_75 : vector<1x8192xi32>
    %or3A_77 = arith.ori %or3A_72, %eq3A_76 : vector<1x8192xi1>
    %get3A_78 = arith.constant 15 : index
    %get3A_79 = memref.load %arg1[%get3A_78] : memref<16xi32, #tpu.memory_space<smem>>
    %eq3A_80 = vector.broadcast %get3A_79 : i32 to vector<1x8192xi32>
    %eq3A_81 = arith.cmpi eq, %add3A_5, %eq3A_80 : vector<1x8192xi32>
    %or3A_82 = arith.ori %or3A_77, %eq3A_81 : vector<1x8192xi1>
    %jit3A = arith.constant -1 : i32
    %broadcast_in_dim3A = vector.broadcast %jit3A : i32 to vector<1x8192xi32>
    %select_n3A = arith.select %or3A_82, %broadcast_in_dim3A, %reshape3A : vector<1x8192xi1>, vector<1x8192xi32>
    %reshape3A_83 = vector.shape_cast %select_n3A : vector<1x8192xi32> to vector<8192x1xi32>
    %eq3A_84 = arith.constant 0 : i32
    %eq3A_85 = vector.broadcast %eq3A_84 : i32 to vector<8192x1xi32>
    %eq3A_86 = arith.cmpi eq, %reshape3A_83, %eq3A_85 : vector<8192x1xi32>
    %jit3A_87 = arith.constant 0.000000e+00 : f32
    %broadcast_in_dim3A_88 = vector.shape_cast %eq3A_86 : vector<8192x1xi1> to vector<8192x1xi1>
    %broadcast_in_dim3A_89 = vector.broadcast %broadcast_in_dim3A_88 : vector<8192x1xi1> to vector<8192x128xi1>
    %broadcast_in_dim3A_90 = vector.broadcast %jit3A_87 : f32 to vector<8192x128xf32>
    %select_n3A_91 = arith.select %broadcast_in_dim3A_89, %get3A_1, %broadcast_in_dim3A_90 : vector<8192x128xi1>, vector<8192x128xf32>
    %eq3A_92 = arith.constant 1 : i32
    %eq3A_93 = vector.broadcast %eq3A_92 : i32 to vector<8192x1xi32>
    %eq3A_94 = arith.cmpi eq, %reshape3A_83, %eq3A_93 : vector<8192x1xi32>
    %jit3A_95 = arith.constant 0.000000e+00 : f32
    %broadcast_in_dim3A_96 = vector.shape_cast %eq3A_94 : vector<8192x1xi1> to vector<8192x1xi1>
    %broadcast_in_dim3A_97 = vector.broadcast %broadcast_in_dim3A_96 : vector<8192x1xi1> to vector<8192x128xi1>
    %broadcast_in_dim3A_98 = vector.broadcast %jit3A_95 : f32 to vector<8192x128xf32>
    %select_n3A_99 = arith.select %broadcast_in_dim3A_97, %get3A_1, %broadcast_in_dim3A_98 : vector<8192x128xi1>, vector<8192x128xf32>
    %eq3A_100 = arith.constant 2 : i32
    %eq3A_101 = vector.broadcast %eq3A_100 : i32 to vector<8192x1xi32>
    %eq3A_102 = arith.cmpi eq, %reshape3A_83, %eq3A_101 : vector<8192x1xi32>
    %jit3A_103 = arith.constant 0.000000e+00 : f32
    %broadcast_in_dim3A_104 = vector.shape_cast %eq3A_102 : vector<8192x1xi1> to vector<8192x1xi1>
    %broadcast_in_dim3A_105 = vector.broadcast %broadcast_in_dim3A_104 : vector<8192x1xi1> to vector<8192x128xi1>
    %broadcast_in_dim3A_106 = vector.broadcast %jit3A_103 : f32 to vector<8192x128xf32>
    %select_n3A_107 = arith.select %broadcast_in_dim3A_105, %get3A_1, %broadcast_in_dim3A_106 : vector<8192x128xi1>, vector<8192x128xf32>
    %eq3A_108 = arith.constant 3 : i32
    %eq3A_109 = vector.broadcast %eq3A_108 : i32 to vector<8192x1xi32>
    %eq3A_110 = arith.cmpi eq, %reshape3A_83, %eq3A_109 : vector<8192x1xi32>
    %jit3A_111 = arith.constant 0.000000e+00 : f32
    %broadcast_in_dim3A_112 = vector.shape_cast %eq3A_110 : vector<8192x1xi1> to vector<8192x1xi1>
    %broadcast_in_dim3A_113 = vector.broadcast %broadcast_in_dim3A_112 : vector<8192x1xi1> to vector<8192x128xi1>
    %broadcast_in_dim3A_114 = vector.broadcast %jit3A_111 : f32 to vector<8192x128xf32>
    %select_n3A_115 = arith.select %broadcast_in_dim3A_113, %get3A_1, %broadcast_in_dim3A_114 : vector<8192x128xi1>, vector<8192x128xf32>
    %eq3A_116 = arith.constant 4 : i32
    %eq3A_117 = vector.broadcast %eq3A_116 : i32 to vector<8192x1xi32>
    %eq3A_118 = arith.cmpi eq, %reshape3A_83, %eq3A_117 : vector<8192x1xi32>
    %jit3A_119 = arith.constant 0.000000e+00 : f32
    %broadcast_in_dim3A_120 = vector.shape_cast %eq3A_118 : vector<8192x1xi1> to vector<8192x1xi1>
    %broadcast_in_dim3A_121 = vector.broadcast %broadcast_in_dim3A_120 : vector<8192x1xi1> to vector<8192x128xi1>
    %broadcast_in_dim3A_122 = vector.broadcast %jit3A_119 : f32 to vector<8192x128xf32>
    %select_n3A_123 = arith.select %broadcast_in_dim3A_121, %get3A_1, %broadcast_in_dim3A_122 : vector<8192x128xi1>, vector<8192x128xf32>
    %concatenate3A = tpu.concatenate %select_n3A_91, %select_n3A_99, %select_n3A_107, %select_n3A_115, %select_n3A_123 in 1 : vector<8192x128xf32>, vector<8192x128xf32>, vector<8192x128xf32>, vector<8192x128xf32>, vector<8192x128xf32> -> vector<8192x640xf32>
    %get3A_124 = arith.constant 0 : index
    %get3A_125 = arith.constant 0 : index
    %get3A_126 = vector.load %arg4[%get3A_124, %get3A_125] : memref<640x128xf32, #tpu.memory_space<vmem>>, vector<640x128xf32>
    %dot_general3A = arith.constant dense<0.000000e+00> : vector<8192x128xf32>
    %dot_general3A_127 = tpu.matmul %concatenate3A, %get3A_126, %dot_general3A {dimension_numbers = #tpu.dot_dimension_numbers<[1], [0], [0], [1], [0, 0, 1, 1], [], []>, transpose_lhs_hint = false} : vector<8192x640xf32>, vector<640x128xf32>, vector<8192x128xf32> -> vector<8192x128xf32>
    %swap3A = arith.constant 0 : index
    %swap3A_128 = arith.constant 0 : index
    %swap3A_129 = vector.load %arg5[%swap3A, %swap3A_128] : memref<8192x128xf32, #tpu.memory_space<vmem>>, vector<8192x128xf32>
    tpu.vector_store %arg5[%swap3A, %swap3A_128], %dot_general3A_127 {strides = array<i32>} : memref<8192x128xf32, #tpu.memory_space<vmem>>, vector<8192x128xf32>,
    return
  }
  func.func @transform_0(%arg0: i32) -> i32 {
    %c0_i32 = arith.constant 0 : i32
    %c0_i32_0 = arith.constant 0 : i32
    return %c0_i32 : i32
  }
  func.func @transform_1(%arg0: i32) -> i32 {
    %c0_i32 = arith.constant 0 : i32
    return %arg0 : i32
  }
  func.func @transform_2(%arg0: i32) -> (i32, i32) {
    %c0_i32 = arith.constant 0 : i32
    %c0_i32_0 = arith.constant 0 : i32
    return %arg0, %c0_i32 : i32, i32
  }
  func.func @transform_3(%arg0: i32) -> (i32, i32) {
    %c0_i32 = arith.constant 0 : i32
    %c0_i32_0 = arith.constant 0 : i32
    %c0_i32_1 = arith.constant 0 : i32
    return %c0_i32, %c0_i32_0 : i32, i32
  }
  func.func @transform_4(%arg0: i32) -> (i32, i32) {
    %c0_i32 = arith.constant 0 : i32
    %c0_i32_0 = arith.constant 0 : i32
    return %arg0, %c0_i32 : i32, i32
  }
}

</mosaic_0001>

<sc_bundles>
// kernel: kernel.4.cloned.1.call-start
scs
__scs_entry_jumppad:
0x0: {  	(pc) =	sbr.rel $0x88, $3  }
0x1: {  	(tag) =	ssettag $0x0;
	lr =	simm.s32 $0x1  }
0x2: {  	[smem:$0x3F9D] =	sst lr;
	_ =	strace $0xD0000000  }
0x3: {  	_ = 	snop  }
0x4: {  	_ = 	snop  }
0x5: {  	_ = 	snop  }
0x6: {  	_ = 	snop  }
0x7: {  	_ = 	snop  }
__scs_overlays_trampoline_lowered:
0x8: {  	[smem:$0x3FAC] =	sst s0  }
0x9: {  	[smem:$0x3FAD] =	sst s1  }
0xa: {  	[smem:$0x3FAE] =	sst s2  }
0xb: {  	[smem:$0x3FAF] =	sst s3  }
0xc: {  	[smem:$0x3FB0] =	sst s4  }
0xd: {  	[smem:$0x3FB1] =	sst s5  }
0xe: {  	[smem:$0x3FB2] =	sst s6  }
0xf: {  	[smem:$0x3FB3] =	sst s7  }
0x10: {  	[smem:$0x3FB4] =	sst s8  }
0x11: {  	[smem:$0x3FB5] =	sst s9;
	s0 =	simm.s32 @!p0 $0x0  }
0x12: {  	s1 =	sld [smem:$0x3F9B];
	s0 =	simm.s32 @p0 $0x1  }
0x13: {  	[smem:$0x3FB6] =	sst s0;
	s0 =	simm.s32 @!p1 $0x0  }
0x14: {  	s2 =	sld [smem:$0x3F9A];
	s0 =	simm.s32 @p1 $0x1  }
0x15: {  	[smem:$0x3FB7] =	sst s0;
	s0 =	simm.s32 @!p2 $0x0  }
0x16: {  	s3 =	sld [smem:$0x3FDB];
	s0 =	simm.s32 @p2 $0x1  }
0x17: {  	s4 =	simm.s32 $0x1BF5;
	[smem:$0x3FB9] =	sst s0  }
0x18: {  	s0 =	sld [smem:$0x3F9C];
	_ =	swait.ge [sflag:s4], $0x0  }
0x19: {  	s7 =	sld [smem:$0x3F9D]  }
0x1a: {  	s8 =	sadd.s32 $0xFFFFE003, lr  }
0x1b: {  	s9 =	sadd.s32 $0xFFFFFEF7, lr;
	s5 =	simm.s32 $0xFFFFFFFF;
	p2 =	slt.u32 s8, $0xFFFFF086  }
0x1c: {  	p1 =	slt.u32 s9, $0xF7A;
	s5 =	simm.s32 @!p2 $0x0  }
0x1d: {  	s5 =	simm.s32 @p1 $0x1;
	p0 =	seq.s32 s7, s2  }
0x1e: {  	s7 =	smul.u32 @!p0 $0xF7A, s2;
	p2 =	seq.s32 @!p0 s5, $0x0  }
0x1f: {  	s9 =	smul.u32 $0xF7A, s1;
	s8 =	simm.s32 @!p0 $0x1BF5;
	p2 =	por !p2, p0  }
0x20: {  	[sflag:s8] =	ssyncset.s32 @!p0 $0xFFFFF086;
	s6 =	sadd.s32 @!p0 s3, s7;
	s7 =	simm.s32 @!p0 $0x108  }
0x21: {  	s3 =	sadd.s32 s3, s9;
	s6 =	sadd.s32 @!p0 $0x88, s6;
	s7 =	simm.s32 @p2 $0x1082  }
0x22: {  	[simem:s7], [sflag:s8] =	dma.local @!p0 [hbm:s6], $0xF7A  }
0x23: {  	s9 =	sor.u32 $0xD0000000, s2;
	s6 =	simm.s32 $0x108;
	_ =	swait.ge @!p0 [sflag:s8], $0x0  }
0x24: {  	s3 =	sadd.s32 $0x88, s3;
	s6 =	simm.s32 @!p1 $0x1082;
	[sflag:s4] =	ssyncset.s32 $0xFFFFF086  }
0x25: {  	[simem:s6], [sflag:s4] =	dma.local [hbm:s3], $0xF7A  }
0x26: {  	[smem:$0x3F9D] =	sst s1;
	(tag) =	ssettag s2;
	_ =	strace s9  }
0x27: {  	s1 =	sld [smem:$0x3FAD]  }
0x28: {  	s2 =	sld [smem:$0x3FAE]  }
0x29: {  	s4 =	sld [smem:$0x3FB0]  }
0x2a: {  	p0 =	seq.s32 s5, $0x0;
	s5 =	sld [smem:$0x3FB1]  }
0x2b: {  	s6 =	sld [smem:$0x3FB2]  }
0x2c: {  	s7 =	sld [smem:$0x3FB3]  }
0x2d: {  	s3 =	simm.s32 $0x108;
	s8 =	sld [smem:$0x3FB4]  }
0x2e: {  	s3 =	simm.s32 @!p0 $0x1082;
	s9 =	sld [smem:$0x3FB5]  }
0x2f: {  	lr =	sadd.s32 s0, s3;
	s0 =	sld [smem:$0x3FAC]  }
0x30: {  	s3 =	sld [smem:$0x3FAF]  }
0x31: {  	[smem:$0x3FB8] =	sst s10  }
0x32: {  	s10 =	sld [smem:$0x3FB6];
	_ =	sdelay $0x3  }
0x33: {  	p0 =	seq.s32 s10, $0x1;
	s10 =	sld [smem:$0x3FB8];
	_ =	sdelay $0x3  }
0x34: {  	[smem:$0x3FB8] =	sst s10  }
0x35: {  	s10 =	sld [smem:$0x3FB7];
	_ =	sdelay $0x3  }
0x36: {  	p1 =	seq.s32 s10, $0x1;
	s10 =	sld [smem:$0x3FB8];
	_ =	sdelay $0x3  }
0x37: {  	[smem:$0x3FB8] =	sst s10  }
0x38: {  	s10 =	sld [smem:$0x3FB9]  }
0x39: {  	_ = 	snop;
	(pc) =	sbr.ind lr, $3  }
0x3a: {  	_ = 	snop  }
0x3b: {  	_ = 	snop  }
0x3c: {  	p2 =	seq.s32 s10, $0x1;
	s10 =	sld [smem:$0x3FB8]  }
0x3d: {  	_ =	shalt  }
0x3e: {  	_ =	shalt  }
0x3f: {  	_ =	shalt  }
0x40: {  	_ =	shalt  }
0x41: {  	_ =	shalt  }
0x42: {  	_ =	shalt  }
0x43: {  	_ =	shalt  }
0x44: {  	_ =	shalt  }
0x45: {  	_ =	shalt  }
0x46: {  	_ =	shalt  }
0x47: {  	_ =	shalt  }
0x48: {  	_ =	shalt  }
0x49: {  	_ =	shalt  }
0x4a: {  	_ =	shalt  }
0x4b: {  	_ =	shalt  }
0x4c: {  	_ =	shalt  }
0x4d: {  	_ =	shalt  }
0x4e: {  	_ =	shalt  }
0x4f: {  	_ =	shalt  }
0x50: {  	_ =	shalt  }
0x51: {  	_ =	shalt  }
0x52: {  	_ =	shalt  }
0x53: {  	_ =	shalt  }
0x54: {  	_ =	shalt  }
0x55: {  	_ =	shalt  }
0x56: {  	_ =	shalt  }
0x57: {  	_ =	shalt  }
0x58: {  	_ =	shalt  }
0x59: {  	_ =	shalt  }
0x5a: {  	_ =	shalt  }
0x5b: {  	_ =	shalt  }
0x5c: {  	_ =	shalt  }
0x5d: {  	_ =	shalt  }
0x5e: {  	_ =	shalt  }
0x5f: {  	_ =	shalt  }
0x60: {  	_ =	shalt  }
0x61: {  	_ =	shalt  }
0x62: {  	_ =	shalt  }
0x63: {  	_ =	shalt  }
0x64: {  	_ =	shalt  }
0x65: {  	_ =	shalt  }
0x66: {  	_ =	shalt  }
0x67: {  	_ =	shalt  }
0x68: {  	_ =	shalt  }
0x69: {  	_ =	shalt  }
0x6a: {  	_ =	shalt  }
0x6b: {  	_ =	shalt  }
0x6c: {  	_ =	shalt  }
0x6d: {  	_ =	shalt  }
0x6e: {  	_ =	shalt  }
0x6f: {  	_ =	shalt  }
0x70: {  	_ =	shalt  }
0x71: {  	_ =	shalt  }
0x72: {  	_ =	shalt  }
0x73: {  	_ =	shalt  }
0x74: {  	_ =	shalt  }
0x75: {  	_ =	shalt  }
0x76: {  	_ =	shalt  }
0x77: {  	_ =	shalt  }
0x78: {  	_ =	shalt  }
0x79: {  	_ =	shalt  }
0x7a: {  	_ =	shalt  }
0x7b: {  	_ =	shalt  }
0x7c: {  	_ =	shalt  }
0x7d: {  	_ =	shalt  }
0x7e: {  	_ =	shalt  }
0x7f: {  	_ =	shalt  }
0x80: {  	_ =	shalt  }
0x81: {  	_ =	shalt  }
0x82: {  	_ =	shalt  }
0x83: {  	_ =	shalt  }
0x84: {  	_ =	shalt  }
0x85: {  	_ =	shalt  }
0x86: {  	_ =	shalt  }
0x87: {  	_ =	shalt  }
.Lfunc_end0:
.L_simem_size_0:
called_computation_lowered:
.L_overlay_start_0:
0x88: {  	s2 =	sld [smem:$0x3FD9]  }
0x89: {  	s3 =	sld [smem:$0x3FFE];
	_ =	sdelay $0x1  }
0x8a: {  	s1 =	srdreg.scid  }
0x8b: {  	s0 =	sand.u32 $0x1, s1  }
0x8c: {  	s18 =	sshll.u32 s0, $0xA;
	s2 =	sadd.s32 s3, s2  }
0x8d: {  	s2 =	sadd.s32 s2, s18  }
0x8e: {  	[smem:$0x3FC4] =	sst s2  }
0x8f: {  	_ = 	snop  }
0x90: {  	s2 =	sld [smem:$0x3FC7]  }
0x91: {  	s19 =	sld [smem:$0x3FD0];
	(tm) =	ssettm $0x1  }
0x92: {  	s4 =	sld [smem:$0x3FFB];
	_ =	sdelay $0x3  }
0x93: {  	_ =	strace s4  }
0x94: {  	s4 =	sld [smem:$0x3FFC];
	_ =	sdelay $0x3  }
0x95: {  	_ =	strace s4  }
0x96: {  	s4 =	sld [smem:$0x3FFD];
	_ =	sdelay $0x3  }
0x97: {  	_ =	strace s4  }
0x98: {  	_ =	strace $0x8FFFFFFF  }
0x99: {  	s20 =	sld [smem:$0x3FDB];
	_ =	sdelay $0x1  }
0x9a: {  	s5 =	simm.s32 $_scs_section_size  }
0x9b: {  	s6 =	simm.s32 $_size__tile_overlayer_lowered;
	s7 =	simm.s32 $_tile_overlayer_lowered  }
0x9c: {  	s23 =	simm.s32 $0x1BFF;
	s22 =	sshll.u32 s7, $0x1;
	s4 =	sadd.s32 s5, s20  }
0x9d: {  	s8 =	simm.s32 $0x0;
	s21 =	sshll.u32 s6, $0x1;
	s6 =	sadd.s32 s22, s4  }
0x9e: {  	[timem:s8], [sflag:s23] =	dma.local [hbm:s6], s21  }
0x9f: {  	_ =	swait.ge [sflag:s23], s21  }
0xa0: {  	s5 =	ssub.s32 $0x0, s21;
	[sflag:s23] =	ssyncset.done $0x0  }
0xa1: {  	[sflag:s23] =	ssyncadd.s32 s5;
	_ =	sdelay $0x1  }
0xa2: {  	s24 =	simm.s32 $0x1B8B  }
0xa3: {  	_ =	swait.ge [sflag:s24], $0x1  }
0xa4: {  	[sflag:s24] =	ssyncset.done $0x0  }
0xa5: {  	s25 =	simm.s32 $0x1B8E;
	[sflag:s24] =	ssyncadd.s32 $0xFFFFFFFF  }
0xa6: {  	s26 =	simm.s32 $execute0_lowered;
	[smem:$0x3FD2] =	sst s25  }
0xa7: {  	s5 =	sshll.u32 s26, $0x1;
	_ =	strace $0x80000046;
	[dreg:$0x1] =	wrdreg $0xFFFFFFFF  }
0xa8: {  	s28 =	simm.s32 $_size_execute0_lowered;
	s4 =	sadd.s32 s4, s5;
	[dreg:$0x0] =	wrdreg $0x0  }
0xa9: {  	s5 =	sshll.u32 s28, $0x1;
	[dreg:$0x2] =	wrdreg s4  }
0xaa: {  	[dreg:$0x3] =	wrdreg s5  }
0xab: {  	[dreg:$0x4] =	wrdreg $0xC0  }
0xac: {  	_ =	task [dreg:s8], $0x5FFFF  }
0xad: {  	[dreg:$0x1] =	wrdreg $0xFFFFFFFF  }
0xae: {  	[dreg:$0x0] =	wrdreg $0x60  }
0xaf: {  	[dreg:$0x2] =	wrdreg s2  }
0xb0: {  	[dreg:$0x3] =	wrdreg s19  }
0xb1: {  	[dreg:$0x4] =	wrdreg $0x9  }
0xb2: {  	_ =	task.clear_ibuf [dreg:s8], $0x5FFFF;
	_ =	strace $0x90000046  }
0xb3: {  	s29 =	simm.s32 $0x9;
	_ =	strace $0x80000048  }
0xb4: {  	_ =	swait.ge [sflag:s29], $0x1  }
0xb5: {  	[sflag:s29] =	ssyncadd.s32 $0xFFFFFFFF  }
0xb6: {  	_ =	strace $0x90000048  }
0xb7: {  	_ =	sfence  }
0xb8: {  	s30 =	sld [smem:$0x0];
	_ =	sdelay $0x2  }
0xb9: {  	s31 =	sshll.u32 s1, $0xD;
	s1 =	sshrl.u32 s1, $0x2  }
0xba: {  	s3 =	sand.u32 $0x4000, s31;
	s1 =	sadd.s32 s1, s30  }
0xbb: {  	s0 =	sor.u32 s3, s0;
	s1 =	sshll.u32 s1, $0x11  }
0xbc: {  	s0 =	sor.u32 s1, s0  }
0xbd: {  	s0 =	sadd.s32 $0x8F2B, s0  }
0xbe: {  	[sflag:s0] =	ssyncadd.remote.s32 $0x1  }
0xbf: {  	_ =	sfence.sel $0xFFFF  }
0xc0: {  	[dreg:$0x0] =	wrdreg $0xFFFFFFFF;
	(pc) =	sbr.abs _section_cstart, $3  }
0xc1: {  	[dreg:$0x1] =	wrdreg $0xFFFFFFFF  }
0xc2: {  	_ =	task.clear_ibuf [dreg:s8], $0x2FFFF;
	_ =	strace $0x9FFFFFFF  }
0xc3: {  	(tm) =	ssettm $0x7FFFFFFF  }
tec
execute0_lowered:
.L_overlay_start_1:
0x0: {  	(tag) =	ssettag $0x1  }
0x1: {  	s5 =	rddreg [dreg:$0x0]  }
0x2: {  	s1 =	srdreg.scid;
	s0 =	stileid.u32  }
0x3: {  	s6 =	rddreg [dreg:$0x1];
	s2 =	simm.s32 $0x0;
	s12 =	simm.s32 $0x2  }
0x4: {  	s3 =	sand.u32 $0x1, s1;
	s4 =	sshll.u32 s0, $0x1;
	s1 =	rddreg [dreg:$0x2]  }
0x5: {  	s13 =	simm.s32 $0x0;
	[smem:$0x7FF] =	sst s2;
	s9 =	sor.u32 s3, s4  }
0x6: {  	s3 =	ssub.s32 $0x2, s3;
	_ =	strace $0x80000047;
	s4 =	sshll.u32 s9, $0x9  }
0x7: {  	s7 =	sshrl.u32 s3, $0x1;
	s31 =	sshll.u32 s9, $0x6;
	p0 =	seq.s32 s9, $0x1F  }
0x8: {  	s8 =	smax.u32 s4, $0x8;
	s7 =	ssub.s32 s3, s7;
	s4 =	smin.u32 s4, $0x3DF8  }
0x9: {  	s3 =	sadd.s32 s5, s31;
	s6 =	sadd.s32 s6, s31;
	p1 =	sne.s32 @!p0 s9, $0x0  }
0xa: {  	s9 =	simm.s32 $0x208;
	s30 =	sadd.s32 $0xFFFFFFF8, s8;
	s11 =	sshrl.u32 s4, $0x3  }
0xb: {  	s7 =	smax.u32 s7, $0x1;
	s8 =	simm.s32 $0x8;
	s10 =	sshrl.u32 s30, $0x3  }
0xc: {  	v0 =	vimm.s32 $0x1;
	p1 =	por p1, p0;
	s4 =	sadd.s32 s5, s10;
	s5 =	sadd.s32 s5, s11  }
0xd: {  	v1 =	vimm.s32 $0x0;
	vm0 =	vmmov @p0 $0xff;
	vm1 =	vmmov @!p1 $0xff;
	s10 =	simm.s32 $0x1;
	s11 =	simm.s32 $0x280;
	s5 =	sadd.s32 $0x40, s5  }
.LBB2_1:
0xe: {  	[tilespmem:s8], [sflag:$0x1] =	stream.linear.gather [hbm4b:s3+s2], $0x200, $0x38;
	[tilespmem:$0x480] =	vst v63  }
0xf: {  	_ = 	snop  }
0x10: {  	[tilespmem:s2], [sflag:$0x1] =	stream.linear.gather [hbm4b:s4+s2], $0x8, $0x38;
	[tilespmem:$0x480] =	vst v63  }
0x11: {  	_ = 	snop  }
0x12: {  	[tilespmem:s9], [sflag:$0x1] =	stream.linear.gather [hbm4b:s5+s2], $0x8, $0x38;
	[tilespmem:$0x480] =	vst v63  }
0x13: {  	_ =	swait.ge [sflag:s10], $0x200  }
0x14: {  	[sflag:s10] =	ssyncset.done $0x0  }
0x15: {  	[sflag:s10] =	ssyncadd.s32 $0xFFFFFE00  }
0x16: {  	_ =	swait.ge [sflag:s10], $0x8  }
0x17: {  	[sflag:s10] =	ssyncset.done $0x0  }
0x18: {  	[sflag:s10] =	ssyncadd.s32 $0xFFFFFFF8  }
0x19: {  	_ =	swait.ge [sflag:s10], $0x8  }
0x1a: {  	[sflag:s10] =	ssyncset.done $0x0  }
0x1b: {  	[sflag:s10] =	ssyncadd.s32 $0xFFFFFFF8  }
0x1c: {  	v2 =	vld @p0 [tilespmem:$0x200]  }
0x1d: {  	v3 =	vld @!p1 [tilespmem:$0x0];
	_ =	sdelay $0x3  }
0x1e: {  	v2 =	vnsel @p0 vm0, $0xFFFFFFFF, v2  }
0x1f: {  	[tilespmem:$0x200] =	vst @p0 v2;
	v2 =	vsel @!p1 vm1, $0xFFFFFFFF, v3  }
0x20: {  	s14 =	simm.s32 $0x0;
	[tilespmem:$0x0] =	vst @!p1 v2  }
0x21: {  	v3 =	vld [tilespmem:s14+$0x6]  }
0x22: {  	v2 =	vld [tilespmem:s14+$0x8]  }
0x23: {  	v4 =	vld [tilespmem:s14+$0x4]  }
0x24: {  	v7 =	vld [tilespmem:s14+$0x5]  }
0x25: {  	v5 =	vld [tilespmem:s14+$0xC]  }
0x26: {  	v8 =	vld [tilespmem:s14+$0x7]  }
0x27: {  	v11 =	vld [tilespmem:s14+$0x9]  }
0x28: {  	v6 =	vld [tilespmem:s14+$0xA]  }
0x29: {  	s15 =	simm.s32 $0x10;
	vm2 =	veq.s32 v4, v2;
	vm3 =	veq.s32 v7, v2;
	v7 =	vld [tilespmem:s14+$0xB]  }
0x2a: {  	vm4 =	veq.s32 v3, v2;
	v4 =	vld [tilespmem:s15+$0x6];
	v9 =	vsel vm2, $0x2, v0;
	v10 =	vsel vm3, $0x1, v1  }
0x2b: {  	v3 =	vld [tilespmem:s15+$0x8];
	vm2 =	veq.s32 v8, v2;
	v9 =	vadd.s32 v10, v9;
	v10 =	vsel vm4, $0x1, v1  }
0x2c: {  	s16 =	simm.s32 $0x80;
	v8 =	vld [tilespmem:s15+$0x4];
	v9 =	vadd.s32 v10, v9;
	v10 =	vsel vm2, $0x1, v1;
	vm2 =	veq.s32 v11, v2  }
.LBB2_2:
0x2d: {  	p2 =	sne.s32 s16, $0x7C0;
	v11 =	vld [tilespmem:s15+$0x5];
	v9 =	vadd.s32 v10, v9;
	v10 =	vsel vm2, $0x1, v1;
	vm2 =	veq.s32 v6, v2  }
0x2e: {  	v12 =	vld [tilespmem:s15+$0xC];
	v6 =	vadd.s32 v10, v9;
	v9 =	vsel vm2, $0x1, v1;
	vm2 =	veq.s32 v7, v2  }
0x2f: {  	v10 =	vld [tilespmem:s15+$0x7];
	v6 =	vadd.s32 v9, v6;
	v7 =	vsel vm2, $0x1, v1;
	vm2 =	veq.s32 v5, v2  }
0x30: {  	v13 =	vld [tilespmem:s15+$0x9];
	v5 =	vadd.s32 v7, v6;
	v7 =	vsel vm2, $0x1, v1;
	v2 =	vmov v3  }
.Ltmp0:
0x31: {  	vm2 =	veq.s32 v4, v2;
	v6 =	vld [tilespmem:s15+$0xA];
	v3 =	vadd.s32 v7, v5;
	(pc) =	sbr.rel @p2 .LBB2_2-.Ltmp0, $4  }
0x32: {  	s17 =	sshra.s32 s16, $0x2;
	vm3 =	veq.s32 v8, v2;
	vm4 =	veq.s32 v11, v2;
	v7 =	vld [tilespmem:s15+$0xB];
	v3 =	vmin.u32 v3, $0x5  }
0x33: {  	v8 =	vsel vm3, $0x2, v0;
	v4 =	vld [tilespmem:s17+$0x6];
	v9 =	vsel vm4, $0x1, v1;
	v11 =	vadd.s32 $0xFFFFFFFF, v3;
	v5 =	vmovc v12  }
0x34: {  	v12 =	vsel vm2, $0x1, v1;
	v3 =	vld [tilespmem:s17+$0x8];
	v9 =	vadd.s32 v9, v8;
	vm2 =	veq.s32 v10, v2;
	[tilespmem:s14+$0x280] =	vst v11;
	s14 =	smov.u32 s15;
	s15 =	smov.u32 s17  }
0x35: {  	s16 =	sadd.s32 $0x40, s16;
	v8 =	vld [tilespmem:s15+$0x4];
	v9 =	vadd.s32 v12, v9;
	v10 =	vsel vm2, $0x1, v1;
	vm2 =	veq.s32 v13, v2  }
0x36: {  	v11 =	vld [tilespmem:s15+$0x5]  }
0x37: {  	v9 =	vadd.s32 v10, v9;
	v49 =	vsel vm2, $0x1, v1;
	vm2 =	veq.s32 v6, v2  }
0x38: {  	v52 =	vld [tilespmem:s15+$0x7];
	v50 =	vadd.s32 v49, v9;
	v51 =	vsel vm2, $0x1, v1;
	vm2 =	veq.s32 v7, v2  }
0x39: {  	v54 =	vld [tilespmem:s15+$0x9];
	v6 =	vadd.s32 v51, v50;
	v53 =	vsel vm2, $0x1, v1  }
0x3a: {  	v55 =	vld [tilespmem:s15+$0xA];
	vm2 =	veq.s32 v5, v2;
	v2 =	vadd.s32 v53, v6  }
0x3b: {  	v57 =	vld [tilespmem:s15+$0xB];
	v56 =	vsel vm2, $0x1, v1;
	vm2 =	veq.s32 v8, v3;
	vm3 =	veq.s32 v11, v3  }
0x3c: {  	v58 =	vld [tilespmem:s15+$0xC];
	vm4 =	veq.s32 v4, v3;
	v59 =	vsel vm2, $0x2, v0;
	v11 =	vsel vm3, $0x1, v1  }
0x3d: {  	v60 =	vsel vm4, $0x1, v1;
	vm2 =	veq.s32 v52, v3;
	v4 =	vadd.s32 v11, v59  }
0x3e: {  	v7 =	vsel vm2, $0x1, v1;
	vm2 =	veq.s32 v54, v3;
	v4 =	vadd.s32 v60, v4  }
0x3f: {  	v61 =	vsel vm2, $0x1, v1;
	vm2 =	veq.s32 v55, v3;
	v4 =	vadd.s32 v7, v4  }
0x40: {  	v5 =	vsel vm2, $0x1, v1;
	vm2 =	veq.s32 v57, v3;
	v4 =	vadd.s32 v61, v4  }
0x41: {  	v62 =	vsel vm2, $0x1, v1;
	vm2 =	veq.s32 v58, v3;
	v4 =	vadd.s32 v5, v4  }
0x42: {  	v2 =	vadd.s32 v56, v2;
	v63 =	vsel vm2, $0x1, v1;
	v3 =	vadd.s32 v62, v4  }
0x43: {  	v2 =	vmin.u32 v2, $0x5;
	v3 =	vadd.s32 v63, v3  }
0x44: {  	s13 =	sadd.s32 $0x1, s13;
	v2 =	vadd.s32 $0xFFFFFFFF, v2;
	v3 =	vmin.u32 v3, $0x5  }
0x45: {  	p2 =	sne.s32 s13, s7;
	[tilespmem:s14+$0x280] =	vst v2;
	v2 =	vadd.s32 $0xFFFFFFFF, v3  }
.Ltmp1:
0x46: {  	[tilespmem:s15+$0x280] =	vst v2;
	(pc) =	sbr.rel @p2 .LBB2_1-.Ltmp1, $4  }
0x47: {  	[hbm4b:s6+s2] =	stream.linear.scatter [tilespmem:s11], [sflag:$0x2], $0x200, $0x38;
	[tilespmem:$0x480] =	vst v63  }
0x48: {  	_ =	swait.ge [sflag:s12], $0x200  }
0x49: {  	[sflag:s12] =	ssyncset.done $0x0  }
0x4a: {  	[sflag:s12] =	ssyncadd.s32 $0xFFFFFE00  }
0x4b: {  	_ =	sfence.sel $0x180000  }
0x4c: {  	[bflag:$0x0] =	sbarrier.arrive $0xFFFF  }
0x4d: {  	p0 =	sne.s32 s0, $0x0;
	_ =	strace $0x90000047  }
0x4e: {  	s0 =	sadd.s32 @!p0 $0x100000, s1;
	[bflag:$0x2] =	sbarrier.arrive $0xFFFF  }
0x4f: {  	[sflag:s0] =	ssyncadd.tile.s32 @!p0 $0x1;
	_ =	shalt  }
.Lfunc_end2:
_tile_overlayer_lowered:
.L_overlay_start_2:
0x50: {  	(tag) =	ssettag $0x2  }
0x51: {  	s0 =	rddreg [dreg:$0x0];
	s2 =	stileid.u32  }
0x52: {  	s1 =	rddreg [dreg:$0x1];
	p0 =	sne.s32 s2, $0x0  }
0x53: {  	s3 =	rddreg [dreg:$0x2];
	[bflag:$0x3] =	sbarrier.arrive $0xFFFF;
	s2 =	simm.s32 @!p0 $0x1C02  }
0x54: {  	[timem:s3], [sflag:s2] =	dma.local @!p0 [hbm:s0], s1  }
0x55: {  	s0 =	simm.s32 @!p0 $0x2  }
0x56: {  	_ =	swait.ge @!p0 [sflag:s0], s1  }
0x57: {  	s1 =	ssub.s32 @!p0 $0x0, s1;
	[sflag:s0] =	ssyncset.done @!p0 $0x0  }
0x58: {  	[sflag:s0] =	ssyncadd.s32 @!p0 s1  }
0x59: {  	[bflag:$0x3] =	sbarrier.arrive $0xFFFF  }
0x5a: {  	_ =	shalt  }

</sc_bundles>
